<compile_context>
chip_gen: v7x
topology: tpu7x:2x2x1
jax: 0.10.2.dev20260603
libtpu: 0.0.44.dev20260713+nightly
codegen_flags: <defaults>
</compile_context>

<pallas_src>
import functools

import jax
import jax.numpy as jnp
from jax import lax
from jax.experimental import pallas as pl
from jax.experimental.pallas import tpu as pltpu
from jax.experimental.pallas import tpu_sc as plsc

_MAX_MASK_PCT = 0.15
_NUM_MASKS = 2
_B, _P, _D = 16, 2048, 1024
_NW = 32
_RPW = _B * _P // _NW


def _segment_bounds(X_len):
    rk = jax.random.key(42)
    ka, kb = jax.random.split(rk)
    valid = X_len
    mml = jnp.floor(_MAX_MASK_PCT * valid.astype(jnp.float32)).astype(jnp.int32)
    vrep = jnp.repeat(valid, _NUM_MASKS)
    mrep = jnp.repeat(mml, _NUM_MASKS)
    n = _B * _NUM_MASKS
    t = jnp.floor(jax.random.uniform(ka, (n,)) * (mrep + 1).astype(jnp.float32)).astype(jnp.int32)
    max_start = jnp.clip(vrep - t + 1, 1, None)
    t0 = jnp.floor(jax.random.uniform(kb, (n,)) * max_start.astype(jnp.float32)).astype(jnp.int32)
    t1 = t0 + t
    segs = jnp.stack(
        [t0.reshape(_B, _NUM_MASKS), t1.reshape(_B, _NUM_MASKS)], axis=-1
    ).reshape(_B * 4)
    return jnp.pad(segs, (0, 128 - _B * 4))



_mesh = plsc.VectorSubcoreMesh(core_axis_name="c", subcore_axis_name="s")


@functools.partial(
    pl.kernel,
    mesh=_mesh,
    out_type=jax.ShapeDtypeStruct((_B * _P,), jnp.int32),
    scratch_types=[
        pltpu.VMEM((_RPW,), jnp.int32),
        pltpu.VMEM((128,), jnp.int32),
    ],
)
def _sc_mask_build(segs_hbm, mask_hbm, maskbuf, segs_v):
    wid = lax.axis_index("s") * 2 + lax.axis_index("c")
    base = wid * _RPW
    p0 = (wid % 2) * _RPW

    pltpu.sync_copy(segs_hbm, segs_v)
    sw = segs_v[pl.ds(4 * (wid // 2), 16)]
    s0 = sw[0]
    e0 = sw[1]
    s1 = sw[2]
    e1 = sw[3]

    one16 = jnp.full((16,), 1, jnp.int32)
    zero16 = jnp.zeros((16,), jnp.int32)

    def mrow(i, c):
        p = p0 + i * 16 + lax.iota(jnp.int32, 16)
        m = ((p >= s0) & (p < e0)) | ((p >= s1) & (p < e1))
        maskbuf[pl.ds(i * 16, 16)] = jnp.where(m, one16, zero16)
        return c

    lax.fori_loop(0, _RPW // 16, mrow, 0)
    pltpu.sync_copy(maskbuf, mask_hbm.at[pl.ds(base, _RPW)])




def _tc_body(segs_ref, mval_ref, x_ref, o_ref):
    b = pl.program_id(0)
    s0 = segs_ref[4 * b]
    e0 = segs_ref[4 * b + 1]
    s1 = segs_ref[4 * b + 2]
    e1 = segs_ref[4 * b + 3]
    p = lax.broadcasted_iota(jnp.int32, (1, _P, 1), 1)
    m = ((p >= s0) & (p < e0)) | ((p >= s1) & (p < e1))
    o_ref[...] = jnp.where(m, mval_ref[0], x_ref[...])


_tc_masked_copy = pl.pallas_call(
    _tc_body,
    grid=(_B,),
    in_specs=[
        pl.BlockSpec(memory_space=pltpu.SMEM),
        pl.BlockSpec(memory_space=pltpu.SMEM),
        pl.BlockSpec((1, _P, _D), lambda b: (b, 0, 0)),
    ],
    out_specs=pl.BlockSpec((1, _P, _D), lambda b: (b, 0, 0)),
    out_shape=jax.ShapeDtypeStruct((_B, _P, _D), jnp.float32),
)


def kernel(X, X_len, mask_value):
    segs = _segment_bounds(X_len)
    out = _tc_masked_copy(segs, mask_value, X)
    mask_i32 = _sc_mask_build(segs)
    return out, mask_i32.reshape(_B, _P) != 0

# --- scband reference (transcript-rebuilt; emitter-appended) ---
"""Pipeline reference for scband-base-time-masked-model-41446434406928 (READ-ONLY COPY).

The authoritative reference and input builder live on the scoring server;
editing this copy changes nothing except your own understanding.
"""

import jax, jax.numpy as jnp
import numpy as np

MAX_MASK_PCT = 0.15
NUM_MASKS = 2


def setup_inputs(seed: int = 0) -> dict:
    key = jax.random.key(seed)
    k1, k2 = jax.random.split(key)
    X = jax.random.normal(k1, (16, 2048, 1024), dtype=jnp.float32)
    X_len = jax.random.randint(k2, (16,), 0, 2048, dtype=jnp.int32)
    mask_value = jnp.zeros((1,), dtype=jnp.float32)
    return {"X": X, "X_len": X_len, "mask_value": mask_value}


def reference(X, X_len, mask_value):
    # Faithful jax translation of BaseTimeMaskedModel.apply_time_masking
    B, P, D = X.shape
    rk = jax.random.key(42)
    ka, kb = jax.random.split(rk)
    valid_lens = X_len
    # (self.max_mask_pct * valid_lens).long() -> truncation (values nonneg so floor ok)
    max_mask_lens = jnp.floor(MAX_MASK_PCT * valid_lens.astype(jnp.float32)).astype(jnp.int32)
    B_rep = B * NUM_MASKS
    valid_lens_rep = jnp.repeat(valid_lens, NUM_MASKS)
    max_mask_lens_rep = jnp.repeat(max_mask_lens, NUM_MASKS)
    t = jnp.floor(jax.random.uniform(ka, (B_rep,)) * (max_mask_lens_rep + 1).astype(jnp.float32)).astype(jnp.int32)
    max_start = jnp.clip(valid_lens_rep - t + 1, 1, None)
    t0 = jnp.floor(jax.random.uniform(kb, (B_rep,)) * max_start.astype(jnp.float32)).astype(jnp.int32)
    arange = jnp.arange(P)[None, :]
    t0_exp = t0[:, None]
    t1_exp = (t0 + t)[:, None]
    mask_chunks = (arange >= t0_exp) & (arange < t1_exp)
    # union of the num_masks mask chunks per batch element == scatter of True into (B, P)
    mask = mask_chunks.reshape(B, NUM_MASKS, P).any(axis=1)
    # X_masked[mask] = mask_value
    X_masked = jnp.where(mask[:, :, None], mask_value, X)
    return X_masked, mask

if __name__ == "__main__":
    import jax
    _d = setup_inputs()
    print(jax.jit(kernel)(*tuple(_d.values())))

</pallas_src>

<mosaic_0001>
#map = affine_map<(d0, d1) -> (0)>
module attributes {stable_mosaic.version = 14 : i64} {
  func.func @_sc_mask_build(%arg0: i32, %arg1: i32, %arg2: memref<128xi32, #tpu.memory_space<hbm>>, %arg3: memref<32768xi32, #tpu.memory_space<hbm>>, %arg4: memref<1024xi32, #tpu.memory_space<vmem>>, %arg5: memref<128xi32, #tpu.memory_space<vmem>>) attributes {dimension_semantics = [#tpu.dimension_semantics<core_parallel>, #tpu.dimension_semantics<subcore_parallel>], iteration_bounds = array<i64: 2, 16>, scalar_prefetch = 0 : i64, scratch_operands = 2 : i64, tpu.core_type = #tpu.core_type<sc_vector_subcore>, window_params = [{transform_indices = #map}, {transform_indices = #map}]} {
    %mul3A = arith.constant 2 : i32
    %mul3A_0 = arith.muli %arg1, %mul3A : i32
    %add3A = arith.addi %mul3A_0, %arg0 : i32
    %mul3A_1 = arith.constant 1024 : i32
    %mul3A_2 = arith.muli %add3A, %mul3A_1 : i32
    %jit3A = arith.constant 2 : i32
    %eq3A = arith.constant 0 : i32
    %eq3A_3 = arith.cmpi eq, %jit3A, %eq3A : i32
    %jit3A_4 = arith.constant 1 : i32
    %select_n3A = arith.select %eq3A_3, %jit3A_4, %jit3A : i32
    %rem3A = arith.remsi %add3A, %select_n3A : i32
    %ne3A = arith.constant 0 : i32
    %ne3A_5 = arith.cmpi ne, %rem3A, %ne3A : i32
    %lt3A = arith.constant 0 : i32
    %lt3A_6 = arith.cmpi slt, %rem3A, %lt3A : i32
    %lt3A_7 = arith.constant 0 : i32
    %lt3A_8 = arith.cmpi slt, %select_n3A, %lt3A_7 : i32
    %ne3A_9 = arith.xori %lt3A_6, %lt3A_8 : i1
    %and3A = arith.andi %ne3A_9, %ne3A_5 : i1
    %add3A_10 = arith.addi %rem3A, %select_n3A : i32
    %select_n3A_11 = arith.select %and3A, %add3A_10, %rem3A : i32
    %mul3A_12 = arith.constant 1024 : i32
    %mul3A_13 = arith.muli %select_n3A_11, %mul3A_12 : i32
    "tpu.region"() ({
      %run_scoped3A = tpu.sem_alloc : memref<!tpu.dma_semaphore, #tpu.memory_space<semaphore_mem>>
      tpu.enqueue_dma source(%arg2 : memref<128xi32, #tpu.memory_space<hbm>>) target(%arg5 : memref<128xi32, #tpu.memory_space<vmem>>) target_semaphore(%run_scoped3A : memref<!tpu.dma_semaphore, #tpu.memory_space<semaphore_mem>>)
      tpu.wait_dma2 semaphore(%run_scoped3A : memref<!tpu.dma_semaphore, #tpu.memory_space<semaphore_mem>>) src(%arg2 : memref<128xi32, #tpu.memory_space<hbm>>) dst(%arg5 : memref<128xi32, #tpu.memory_space<vmem>>)
      tpu.yield
    }) : () -> ()
    %jit3A_14 = arith.constant 2 : i32
    %div3A = arith.divsi %add3A, %jit3A_14 : i32
    %sign3A = arith.constant 0 : i32
    %sign3A_15 = arith.cmpi sgt, %add3A, %sign3A : i32
    %sign3A_16 = arith.extui %sign3A_15 : i1 to i32
    %sign3A_17 = arith.constant 0 : i32
    %sign3A_18 = arith.cmpi slt, %add3A, %sign3A_17 : i32
    %sign3A_19 = arith.extui %sign3A_18 : i1 to i32
    %sign3A_20 = arith.subi %sign3A_16, %sign3A_19 : i32
    %sign3A_21 = arith.constant 0 : i32
    %sign3A_22 = arith.cmpi sgt, %jit3A_14, %sign3A_21 : i32
    %sign3A_23 = arith.extui %sign3A_22 : i1 to i32
    %sign3A_24 = arith.constant 0 : i32
    %sign3A_25 = arith.cmpi slt, %jit3A_14, %sign3A_24 : i32
    %sign3A_26 = arith.extui %sign3A_25 : i1 to i32
    %sign3A_27 = arith.subi %sign3A_23, %sign3A_26 : i32
    %ne3A_28 = arith.cmpi ne, %sign3A_20, %sign3A_27 : i32
    %rem3A_29 = arith.remsi %add3A, %jit3A_14 : i32
    %ne3A_30 = arith.constant 0 : i32
    %ne3A_31 = arith.cmpi ne, %rem3A_29, %ne3A_30 : i32
    %and3A_32 = arith.andi %ne3A_28, %ne3A_31 : i1
    %sub3A = arith.constant 1 : i32
    %sub3A_33 = arith.subi %div3A, %sub3A : i32
    %select_n3A_34 = arith.select %and3A_32, %sub3A_33, %div3A : i32
    %mul3A_35 = arith.constant 4 : i32
    %mul3A_36 = arith.muli %mul3A_35, %select_n3A_34 : i32
    %get3A = arith.index_cast %mul3A_36 : i32 to index
    %get3A_37 = tpu.vector_load %arg5[%get3A] {strides = array<i32>} : memref<128xi32, #tpu.memory_space<vmem>>, vector<16xi32>,
    %get3A_38 = vector.shape_cast %get3A_37 : vector<16xi32> to vector<16xi32>
    %slice3A = vector.extract_strided_slice %get3A_38 {offsets = [0], sizes = [1], strides = [1]} : vector<16xi32> to vector<1xi32>
    %squeeze3A = vector.extract %slice3A[0] : i32 from vector<1xi32>
    %slice3A_39 = vector.extract_strided_slice %get3A_38 {offsets = [1], sizes = [1], strides = [1]} : vector<16xi32> to vector<1xi32>
    %squeeze3A_40 = vector.extract %slice3A_39[0] : i32 from vector<1xi32>
    %slice3A_41 = vector.extract_strided_slice %get3A_38 {offsets = [2], sizes = [1], strides = [1]} : vector<16xi32> to vector<1xi32>
    %squeeze3A_42 = vector.extract %slice3A_41[0] : i32 from vector<1xi32>
    %slice3A_43 = vector.extract_strided_slice %get3A_38 {offsets = [3], sizes = [1], strides = [1]} : vector<16xi32> to vector<1xi32>
    %squeeze3A_44 = vector.extract %slice3A_43[0] : i32 from vector<1xi32>
    %broadcast_in_dim3A = arith.constant 1 : i32
    %broadcast_in_dim3A_45 = vector.broadcast %broadcast_in_dim3A : i32 to vector<16xi32>
    %broadcast_in_dim3A_46 = arith.constant 0 : i32
    %broadcast_in_dim3A_47 = vector.broadcast %broadcast_in_dim3A_46 : i32 to vector<16xi32>
    %scan3A = arith.constant 0 : i32
    %scan3A_48 = arith.constant 0 : i32
    %scan3A_49 = arith.constant 64 : i32
    %scan3A_50 = arith.addi %scan3A_48, %scan3A_49 : i32
    %scan3A_51 = arith.constant 1 : i32
    scf.for %scan3A_53 = %scan3A_48 to %scan3A_50 step %scan3A_51  : i32 {
      %mul3A_54 = arith.constant 16 : i32
      %mul3A_55 = arith.muli %scan3A_53, %mul3A_54 : i32
      %add3A_56 = arith.addi %mul3A_13, %mul3A_55 : i32
      %iota3A = tpu.iota {dimensions = array<i32: 0>} : vector<16xi32>
      %add3A_57 = vector.broadcast %add3A_56 : i32 to vector<16xi32>
      %add3A_58 = arith.addi %add3A_57, %iota3A : vector<16xi32>
      %ge3A = vector.broadcast %squeeze3A : i32 to vector<16xi32>
      %ge3A_59 = arith.cmpi sge, %add3A_58, %ge3A : vector<16xi32>
      %lt3A_60 = vector.broadcast %squeeze3A_40 : i32 to vector<16xi32>
      %lt3A_61 = arith.cmpi slt, %add3A_58, %lt3A_60 : vector<16xi32>
      %and3A_62 = arith.andi %ge3A_59, %lt3A_61 : vector<16xi1>
      %ge3A_63 = vector.broadcast %squeeze3A_42 : i32 to vector<16xi32>
      %ge3A_64 = arith.cmpi sge, %add3A_58, %ge3A_63 : vector<16xi32>
      %lt3A_65 = vector.broadcast %squeeze3A_44 : i32 to vector<16xi32>
      %lt3A_66 = arith.cmpi slt, %add3A_58, %lt3A_65 : vector<16xi32>
      %and3A_67 = arith.andi %ge3A_64, %lt3A_66 : vector<16xi1>
      %or3A = arith.ori %and3A_62, %and3A_67 : vector<16xi1>
      %select_n3A_68 = arith.select %or3A, %broadcast_in_dim3A_45, %broadcast_in_dim3A_47 : vector<16xi1>, vector<16xi32>
      %mul3A_69 = arith.constant 16 : i32
      %mul3A_70 = arith.muli %scan3A_53, %mul3A_69 : i32
      %swap3A = arith.index_cast %mul3A_70 : i32 to index
      %swap3A_71 = tpu.vector_load %arg4[%swap3A] {strides = array<i32>} : memref<1024xi32, #tpu.memory_space<vmem>>, vector<16xi32>,
      %swap3A_72 = vector.shape_cast %swap3A_71 : vector<16xi32> to vector<16xi32>
      %swap3A_73 = vector.shape_cast %select_n3A_68 : vector<16xi32> to vector<16xi32>
      tpu.vector_store %arg4[%swap3A], %swap3A_73 {strides = array<i32>} : memref<1024xi32, #tpu.memory_space<vmem>>, vector<16xi32>,
    }
    %scan3A_52 = arith.constant 64 : i32
    "tpu.region"() ({
      %run_scoped3A = tpu.sem_alloc : memref<!tpu.dma_semaphore, #tpu.memory_space<semaphore_mem>>
      %dma_start3A = tpu.memref_slice %arg3[%mul3A_2] : memref<32768xi32, #tpu.memory_space<hbm>> -> memref<1024xi32, #tpu.memory_space<hbm>>
      %dma_start3A_53 = tpu.memref_slice %arg3[%mul3A_2] : memref<32768xi32, #tpu.memory_space<hbm>> -> memref<1024xi32, #tpu.memory_space<hbm>>
      tpu.enqueue_dma source(%arg4 : memref<1024xi32, #tpu.memory_space<vmem>>) target(%dma_start3A_53 : memref<1024xi32, #tpu.memory_space<hbm>>) target_semaphore(%run_scoped3A : memref<!tpu.dma_semaphore, #tpu.memory_space<semaphore_mem>>)
      %dma_wait3A = tpu.memref_slice %arg3[%mul3A_2] : memref<32768xi32, #tpu.memory_space<hbm>> -> memref<1024xi32, #tpu.memory_space<hbm>>
      %dma_wait3A_54 = tpu.memref_slice %arg3[%mul3A_2] : memref<32768xi32, #tpu.memory_space<hbm>> -> memref<1024xi32, #tpu.memory_space<hbm>>
      tpu.wait_dma2 semaphore(%run_scoped3A : memref<!tpu.dma_semaphore, #tpu.memory_space<semaphore_mem>>) src(%arg4 : memref<1024xi32, #tpu.memory_space<vmem>>) dst(%dma_wait3A_54 : memref<1024xi32, #tpu.memory_space<hbm>>)
      tpu.yield
    }) : () -> ()
    return
  }
}

module attributes {stable_mosaic.version = 14 : i64} {
  func.func @_tc_body(%arg0: i32, %arg1: memref<128xi32, #tpu.memory_space<smem>>, %arg2: memref<1xf32, #tpu.memory_space<smem>>, %arg3: memref<1x2048x1024xf32, #tpu.memory_space<vmem>>, %arg4: memref<1x2048x1024xf32, #tpu.memory_space<vmem>>) attributes {dimension_semantics = [#tpu.dimension_semantics<arbitrary>], iteration_bounds = array<i64: 16>, scalar_prefetch = 0 : i64, scratch_operands = 0 : i64, tpu.core_type = #tpu.core_type<tc>, window_params = [{transform_indices = @transform_0, window_bounds = array<i64: 128>}, {transform_indices = @transform_1, window_bounds = array<i64: 1>}, {transform_indices = @transform_2, window_bounds = array<i64: 1, 2048, 1024>}, {transform_indices = @transform_3, window_bounds = array<i64: 1, 2048, 1024>}]} {
    %mul3A = arith.constant 4 : i32
    %mul3A_0 = arith.muli %mul3A, %arg0 : i32
    %get3A = arith.index_cast %mul3A_0 : i32 to index
    %get3A_1 = memref.load %arg1[%get3A] : memref<128xi32, #tpu.memory_space<smem>>
    %mul3A_2 = arith.constant 4 : i32
    %mul3A_3 = arith.muli %mul3A_2, %arg0 : i32
    %add3A = arith.constant 1 : i32
    %add3A_4 = arith.addi %mul3A_3, %add3A : i32
    %get3A_5 = arith.index_cast %add3A_4 : i32 to index
    %get3A_6 = memref.load %arg1[%get3A_5] : memref<128xi32, #tpu.memory_space<smem>>
    %mul3A_7 = arith.constant 4 : i32
    %mul3A_8 = arith.muli %mul3A_7, %arg0 : i32
    %add3A_9 = arith.constant 2 : i32
    %add3A_10 = arith.addi %mul3A_8, %add3A_9 : i32
    %get3A_11 = arith.index_cast %add3A_10 : i32 to index
    %get3A_12 = memref.load %arg1[%get3A_11] : memref<128xi32, #tpu.memory_space<smem>>
    %mul3A_13 = arith.constant 4 : i32
    %mul3A_14 = arith.muli %mul3A_13, %arg0 : i32
    %add3A_15 = arith.constant 3 : i32
    %add3A_16 = arith.addi %mul3A_14, %add3A_15 : i32
    %get3A_17 = arith.index_cast %add3A_16 : i32 to index
    %get3A_18 = memref.load %arg1[%get3A_17] : memref<128xi32, #tpu.memory_space<smem>>
    %iota3A = tpu.iota {dimensions = array<i32: 1>} : vector<1x2048x1xi32>
    %ge3A = vector.broadcast %get3A_1 : i32 to vector<1x2048x1xi32>
    %ge3A_19 = arith.cmpi sge, %iota3A, %ge3A : vector<1x2048x1xi32>
    %lt3A = vector.broadcast %get3A_6 : i32 to vector<1x2048x1xi32>
    %lt3A_20 = arith.cmpi slt, %iota3A, %lt3A : vector<1x2048x1xi32>
    %and3A = arith.andi %ge3A_19, %lt3A_20 : vector<1x2048x1xi1>
    %ge3A_21 = vector.broadcast %get3A_12 : i32 to vector<1x2048x1xi32>
    %ge3A_22 = arith.cmpi sge, %iota3A, %ge3A_21 : vector<1x2048x1xi32>
    %lt3A_23 = vector.broadcast %get3A_18 : i32 to vector<1x2048x1xi32>
    %lt3A_24 = arith.cmpi slt, %iota3A, %lt3A_23 : vector<1x2048x1xi32>
    %and3A_25 = arith.andi %ge3A_22, %lt3A_24 : vector<1x2048x1xi1>
    %or3A = arith.ori %and3A, %and3A_25 : vector<1x2048x1xi1>
    %get3A_26 = arith.constant 0 : index
    %get3A_27 = memref.load %arg2[%get3A_26] : memref<1xf32, #tpu.memory_space<smem>>
    %get3A_28 = arith.constant 0 : index
    %get3A_29 = arith.constant 0 : index
    %get3A_30 = arith.constant 0 : index
    %get3A_31 = vector.load %arg3[%get3A_28, %get3A_29, %get3A_30] : memref<1x2048x1024xf32, #tpu.memory_space<vmem>>, vector<1x2048x1024xf32>
    %broadcast_in_dim3A = vector.shape_cast %or3A : vector<1x2048x1xi1> to vector<1x2048x1xi1>
    %broadcast_in_dim3A_32 = vector.broadcast %broadcast_in_dim3A : vector<1x2048x1xi1> to vector<1x2048x1024xi1>
    %broadcast_in_dim3A_33 = vector.broadcast %get3A_27 : f32 to vector<1x2048x1024xf32>
    %select_n3A = arith.select %broadcast_in_dim3A_32, %broadcast_in_dim3A_33, %get3A_31 : vector<1x2048x1024xi1>, vector<1x2048x1024xf32>
    %swap3A = arith.constant 0 : index
    %swap3A_34 = arith.constant 0 : index
    %swap3A_35 = arith.constant 0 : index
    %swap3A_36 = vector.load %arg4[%swap3A, %swap3A_34, %swap3A_35] : memref<1x2048x1024xf32, #tpu.memory_space<vmem>>, vector<1x2048x1024xf32>
    tpu.vector_store %arg4[%swap3A, %swap3A_34, %swap3A_35], %select_n3A {strides = array<i32>} : memref<1x2048x1024xf32, #tpu.memory_space<vmem>>, vector<1x2048x1024xf32>,
    return
  }
  func.func @transform_0(%arg0: i32) -> i32 {
    %c0_i32 = arith.constant 0 : i32
    %c0_i32_0 = arith.constant 0 : i32
    return %c0_i32 : i32
  }
  func.func @transform_1(%arg0: i32) -> i32 {
    %c0_i32 = arith.constant 0 : i32
    %c0_i32_0 = arith.constant 0 : i32
    return %c0_i32 : i32
  }
  func.func @transform_2(%arg0: i32) -> (i32, i32, i32) {
    %c0_i32 = arith.constant 0 : i32
    %c0_i32_0 = arith.constant 0 : i32
    %c0_i32_1 = arith.constant 0 : i32
    return %arg0, %c0_i32, %c0_i32_0 : i32, i32, i32
  }
  func.func @transform_3(%arg0: i32) -> (i32, i32, i32) {
    %c0_i32 = arith.constant 0 : i32
    %c0_i32_0 = arith.constant 0 : i32
    %c0_i32_1 = arith.constant 0 : i32
    return %arg0, %c0_i32, %c0_i32_0 : i32, i32, i32
  }
}

</mosaic_0001>

<sc_bundles>
// kernel: kernel.4.cloned.1.call-start
scs
__scs_entry_jumppad:
0x0: {  	(pc) =	sbr.rel $0x88, $3  }
0x1: {  	(tag) =	ssettag $0x0;
	lr =	simm.s32 $0x1  }
0x2: {  	[smem:$0x3F9E] =	sst lr;
	_ =	strace $0xD0000000  }
0x3: {  	_ = 	snop  }
0x4: {  	_ = 	snop  }
0x5: {  	_ = 	snop  }
0x6: {  	_ = 	snop  }
0x7: {  	_ = 	snop  }
__scs_overlays_trampoline_lowered:
0x8: {  	[smem:$0x3FAD] =	sst s0  }
0x9: {  	[smem:$0x3FAE] =	sst s1  }
0xa: {  	[smem:$0x3FAF] =	sst s2  }
0xb: {  	[smem:$0x3FB0] =	sst s3  }
0xc: {  	[smem:$0x3FB1] =	sst s4  }
0xd: {  	[smem:$0x3FB2] =	sst s5  }
0xe: {  	[smem:$0x3FB3] =	sst s6  }
0xf: {  	[smem:$0x3FB4] =	sst s7  }
0x10: {  	[smem:$0x3FB5] =	sst s8  }
0x11: {  	[smem:$0x3FB6] =	sst s9;
	s0 =	simm.s32 @!p0 $0x0  }
0x12: {  	s1 =	sld [smem:$0x3F9C];
	s0 =	simm.s32 @p0 $0x1  }
0x13: {  	[smem:$0x3FB7] =	sst s0;
	s0 =	simm.s32 @!p1 $0x0  }
0x14: {  	s2 =	sld [smem:$0x3F9B];
	s0 =	simm.s32 @p1 $0x1  }
0x15: {  	[smem:$0x3FB8] =	sst s0;
	s0 =	simm.s32 @!p2 $0x0  }
0x16: {  	s3 =	sld [smem:$0x3FDB];
	s0 =	simm.s32 @p2 $0x1  }
0x17: {  	s4 =	simm.s32 $0x1BF5;
	[smem:$0x3FBA] =	sst s0  }
0x18: {  	s0 =	sld [smem:$0x3F9D];
	_ =	swait.ge [sflag:s4], $0x0  }
0x19: {  	s7 =	sld [smem:$0x3F9E]  }
0x1a: {  	s8 =	sadd.s32 $0xFFFFE003, lr  }
0x1b: {  	s9 =	sadd.s32 $0xFFFFFEF7, lr;
	s5 =	simm.s32 $0xFFFFFFFF;
	p2 =	slt.u32 s8, $0xFFFFF086  }
0x1c: {  	p1 =	slt.u32 s9, $0xF7A;
	s5 =	simm.s32 @!p2 $0x0  }
0x1d: {  	s5 =	simm.s32 @p1 $0x1;
	p0 =	seq.s32 s7, s2  }
0x1e: {  	s7 =	smul.u32 @!p0 $0xF7A, s2;
	p2 =	seq.s32 @!p0 s5, $0x0  }
0x1f: {  	s9 =	smul.u32 $0xF7A, s1;
	s8 =	simm.s32 @!p0 $0x1BF5;
	p2 =	por !p2, p0  }
0x20: {  	[sflag:s8] =	ssyncset.s32 @!p0 $0xFFFFF086;
	s6 =	sadd.s32 @!p0 s3, s7;
	s7 =	simm.s32 @!p0 $0x108  }
0x21: {  	s3 =	sadd.s32 s3, s9;
	s6 =	sadd.s32 @!p0 $0x88, s6;
	s7 =	simm.s32 @p2 $0x1082  }
0x22: {  	[simem:s7], [sflag:s8] =	dma.local @!p0 [hbm:s6], $0xF7A  }
0x23: {  	s9 =	sor.u32 $0xD0000000, s2;
	s6 =	simm.s32 $0x108;
	_ =	swait.ge @!p0 [sflag:s8], $0x0  }
0x24: {  	s3 =	sadd.s32 $0x88, s3;
	s6 =	simm.s32 @!p1 $0x1082;
	[sflag:s4] =	ssyncset.s32 $0xFFFFF086  }
0x25: {  	[simem:s6], [sflag:s4] =	dma.local [hbm:s3], $0xF7A  }
0x26: {  	[smem:$0x3F9E] =	sst s1;
	(tag) =	ssettag s2;
	_ =	strace s9  }
0x27: {  	s1 =	sld [smem:$0x3FAE]  }
0x28: {  	s2 =	sld [smem:$0x3FAF]  }
0x29: {  	s4 =	sld [smem:$0x3FB1]  }
0x2a: {  	p0 =	seq.s32 s5, $0x0;
	s5 =	sld [smem:$0x3FB2]  }
0x2b: {  	s6 =	sld [smem:$0x3FB3]  }
0x2c: {  	s7 =	sld [smem:$0x3FB4]  }
0x2d: {  	s3 =	simm.s32 $0x108;
	s8 =	sld [smem:$0x3FB5]  }
0x2e: {  	s3 =	simm.s32 @!p0 $0x1082;
	s9 =	sld [smem:$0x3FB6]  }
0x2f: {  	lr =	sadd.s32 s0, s3;
	s0 =	sld [smem:$0x3FAD]  }
0x30: {  	s3 =	sld [smem:$0x3FB0]  }
0x31: {  	[smem:$0x3FB9] =	sst s10  }
0x32: {  	s10 =	sld [smem:$0x3FB7];
	_ =	sdelay $0x3  }
0x33: {  	p0 =	seq.s32 s10, $0x1;
	s10 =	sld [smem:$0x3FB9];
	_ =	sdelay $0x3  }
0x34: {  	[smem:$0x3FB9] =	sst s10  }
0x35: {  	s10 =	sld [smem:$0x3FB8];
	_ =	sdelay $0x3  }
0x36: {  	p1 =	seq.s32 s10, $0x1;
	s10 =	sld [smem:$0x3FB9];
	_ =	sdelay $0x3  }
0x37: {  	[smem:$0x3FB9] =	sst s10  }
0x38: {  	s10 =	sld [smem:$0x3FBA]  }
0x39: {  	_ = 	snop;
	(pc) =	sbr.ind lr, $3  }
0x3a: {  	_ = 	snop  }
0x3b: {  	_ = 	snop  }
0x3c: {  	p2 =	seq.s32 s10, $0x1;
	s10 =	sld [smem:$0x3FB9]  }
0x3d: {  	_ =	shalt  }
0x3e: {  	_ =	shalt  }
0x3f: {  	_ =	shalt  }
0x40: {  	_ =	shalt  }
0x41: {  	_ =	shalt  }
0x42: {  	_ =	shalt  }
0x43: {  	_ =	shalt  }
0x44: {  	_ =	shalt  }
0x45: {  	_ =	shalt  }
0x46: {  	_ =	shalt  }
0x47: {  	_ =	shalt  }
0x48: {  	_ =	shalt  }
0x49: {  	_ =	shalt  }
0x4a: {  	_ =	shalt  }
0x4b: {  	_ =	shalt  }
0x4c: {  	_ =	shalt  }
0x4d: {  	_ =	shalt  }
0x4e: {  	_ =	shalt  }
0x4f: {  	_ =	shalt  }
0x50: {  	_ =	shalt  }
0x51: {  	_ =	shalt  }
0x52: {  	_ =	shalt  }
0x53: {  	_ =	shalt  }
0x54: {  	_ =	shalt  }
0x55: {  	_ =	shalt  }
0x56: {  	_ =	shalt  }
0x57: {  	_ =	shalt  }
0x58: {  	_ =	shalt  }
0x59: {  	_ =	shalt  }
0x5a: {  	_ =	shalt  }
0x5b: {  	_ =	shalt  }
0x5c: {  	_ =	shalt  }
0x5d: {  	_ =	shalt  }
0x5e: {  	_ =	shalt  }
0x5f: {  	_ =	shalt  }
0x60: {  	_ =	shalt  }
0x61: {  	_ =	shalt  }
0x62: {  	_ =	shalt  }
0x63: {  	_ =	shalt  }
0x64: {  	_ =	shalt  }
0x65: {  	_ =	shalt  }
0x66: {  	_ =	shalt  }
0x67: {  	_ =	shalt  }
0x68: {  	_ =	shalt  }
0x69: {  	_ =	shalt  }
0x6a: {  	_ =	shalt  }
0x6b: {  	_ =	shalt  }
0x6c: {  	_ =	shalt  }
0x6d: {  	_ =	shalt  }
0x6e: {  	_ =	shalt  }
0x6f: {  	_ =	shalt  }
0x70: {  	_ =	shalt  }
0x71: {  	_ =	shalt  }
0x72: {  	_ =	shalt  }
0x73: {  	_ =	shalt  }
0x74: {  	_ =	shalt  }
0x75: {  	_ =	shalt  }
0x76: {  	_ =	shalt  }
0x77: {  	_ =	shalt  }
0x78: {  	_ =	shalt  }
0x79: {  	_ =	shalt  }
0x7a: {  	_ =	shalt  }
0x7b: {  	_ =	shalt  }
0x7c: {  	_ =	shalt  }
0x7d: {  	_ =	shalt  }
0x7e: {  	_ =	shalt  }
0x7f: {  	_ =	shalt  }
0x80: {  	_ =	shalt  }
0x81: {  	_ =	shalt  }
0x82: {  	_ =	shalt  }
0x83: {  	_ =	shalt  }
0x84: {  	_ =	shalt  }
0x85: {  	_ =	shalt  }
0x86: {  	_ =	shalt  }
0x87: {  	_ =	shalt  }
.Lfunc_end0:
.L_simem_size_0:
called_computation_lowered:
.L_overlay_start_0:
0x88: {  	s2 =	sld [smem:$0x3FD9]  }
0x89: {  	s3 =	sld [smem:$0x3FFE];
	_ =	sdelay $0x1  }
0x8a: {  	s1 =	srdreg.scid  }
0x8b: {  	s0 =	sand.u32 $0x1, s1  }
0x8c: {  	s14 =	sshll.u32 s0, $0xA;
	s2 =	sadd.s32 s3, s2  }
0x8d: {  	s2 =	sadd.s32 s2, s14  }
0x8e: {  	[smem:$0x3FC5] =	sst s2  }
0x8f: {  	_ = 	snop  }
0x90: {  	s2 =	sld [smem:$0x3FD0];
	_ =	sdelay $0x2  }
0x91: {  	s15 =	simm.s32 $0xA;
	s4 =	simm.s32 $0x10  }
0x92: {  	[smem:s4], [sflag:s15] =	dma.local [hbm:s2], $0x1  }
0x93: {  	_ =	swait.eq [sflag:s15], $0x1  }
0x94: {  	[sflag:s15] =	ssyncset.done $0x0  }
0x95: {  	[sflag:s15] =	ssyncadd.s32 $0xFFFFFFFF  }
0x96: {  	s16 =	sld [smem:$0x11];
	(tm) =	ssettm $0x1  }
0x97: {  	s17 =	sld [smem:$0x3FFB];
	_ =	sdelay $0x3  }
0x98: {  	_ =	strace s17  }
0x99: {  	s3 =	sld [smem:$0x3FFC];
	_ =	sdelay $0x3  }
0x9a: {  	_ =	strace s3  }
0x9b: {  	s3 =	sld [smem:$0x3FFD];
	_ =	sdelay $0x3  }
0x9c: {  	_ =	strace s3  }
0x9d: {  	_ =	strace $0x8FFFFFFF  }
0x9e: {  	s18 =	sld [smem:$0x3FDB];
	_ =	sdelay $0x1  }
0x9f: {  	s19 =	simm.s32 $_scs_section_size  }
0xa0: {  	s5 =	simm.s32 $_size__tile_overlayer_lowered;
	s6 =	simm.s32 $_tile_overlayer_lowered  }
0xa1: {  	s22 =	simm.s32 $0x1BFF;
	s21 =	sshll.u32 s6, $0x1;
	s3 =	sadd.s32 s19, s18  }
0xa2: {  	s7 =	simm.s32 $0x0;
	s20 =	sshll.u32 s5, $0x1;
	s5 =	sadd.s32 s21, s3  }
0xa3: {  	[timem:s7], [sflag:s22] =	dma.local [hbm:s5], s20  }
0xa4: {  	_ =	swait.ge [sflag:s22], s20  }
0xa5: {  	s4 =	ssub.s32 $0x0, s20;
	[sflag:s22] =	ssyncset.done $0x0  }
0xa6: {  	[sflag:s22] =	ssyncadd.s32 s4;
	_ =	sdelay $0x1  }
0xa7: {  	s23 =	simm.s32 $0x1B8B  }
0xa8: {  	_ =	swait.ge [sflag:s23], $0x1  }
0xa9: {  	[sflag:s23] =	ssyncset.done $0x0  }
0xaa: {  	s25 =	simm.s32 $0x1B8E;
	s24 =	sld [smem:$0x3FFE];
	[sflag:s23] =	ssyncadd.s32 $0xFFFFFFFF  }
0xab: {  	s26 =	simm.s32 $execute0_lowered;
	[smem:$0x3FD2] =	sst s25  }
0xac: {  	s5 =	sshll.u32 s26, $0x1;
	_ =	strace $0x80000046;
	[dreg:$0x1] =	wrdreg $0xFFFFFFFF  }
0xad: {  	s28 =	simm.s32 $_size_execute0_lowered;
	s3 =	sadd.s32 s3, s5;
	[dreg:$0x0] =	wrdreg $0x0  }
0xae: {  	s5 =	sshll.u32 s28, $0x1;
	[dreg:$0x2] =	wrdreg s3  }
0xaf: {  	[dreg:$0x3] =	wrdreg s5  }
0xb0: {  	[dreg:$0x4] =	wrdreg $0xC0  }
0xb1: {  	_ =	task [dreg:s7], $0x5FFFF  }
0xb2: {  	[dreg:$0x1] =	wrdreg $0xFFFFFFFF  }
0xb3: {  	[dreg:$0x0] =	wrdreg $0x60  }
0xb4: {  	[dreg:$0x2] =	wrdreg s16  }
0xb5: {  	[dreg:$0x3] =	wrdreg s24  }
0xb6: {  	[dreg:$0x4] =	wrdreg $0x9  }
0xb7: {  	_ =	task.clear_ibuf [dreg:s7], $0x5FFFF;
	_ =	strace $0x90000046  }
0xb8: {  	s29 =	simm.s32 $0x9;
	_ =	strace $0x80000048  }
0xb9: {  	_ =	swait.ge [sflag:s29], $0x1  }
0xba: {  	[sflag:s29] =	ssyncadd.s32 $0xFFFFFFFF  }
0xbb: {  	_ =	strace $0x90000048  }
0xbc: {  	_ =	sfence  }
0xbd: {  	s30 =	sld [smem:$0x0];
	_ =	sdelay $0x2  }
0xbe: {  	s31 =	sshll.u32 s1, $0xD;
	s1 =	sshrl.u32 s1, $0x2  }
0xbf: {  	s3 =	sand.u32 $0x4000, s31;
	s1 =	sadd.s32 s1, s30  }
0xc0: {  	s0 =	sor.u32 s3, s0;
	s1 =	sshll.u32 s1, $0x11  }
0xc1: {  	s0 =	sor.u32 s1, s0  }
0xc2: {  	s0 =	sadd.s32 $0x8F2B, s0  }
0xc3: {  	[sflag:s0] =	ssyncadd.remote.s32 $0x1  }
0xc4: {  	_ =	sfence.sel $0xFFFF  }
0xc5: {  	[dreg:$0x0] =	wrdreg $0xFFFFFFFF;
	(pc) =	sbr.abs _section_cstart, $3  }
0xc6: {  	[dreg:$0x1] =	wrdreg $0xFFFFFFFF  }
0xc7: {  	_ =	task.clear_ibuf [dreg:s7], $0x2FFFF;
	_ =	strace $0x9FFFFFFF  }
0xc8: {  	(tm) =	ssettm $0x7FFFFFFF  }
0xc9: {  	_ =	shalt  }
tec
execute0_lowered:
.L_overlay_start_1:
0x0: {  	(tag) =	ssettag $0x1  }
0x1: {  	s2 =	rddreg [dreg:$0x0]  }
0x2: {  	s4 =	rddreg [dreg:$0x1]  }
0x3: {  	s5 =	srdreg.scid;
	s1 =	stileid.u32  }
0x4: {  	s0 =	rddreg [dreg:$0x2];
	s5 =	sand.u32 $0x1, s5;
	s6 =	sshll.u32 s1, $0x1  }
0x5: {  	s3 =	simm.s32 $0x0;
	s9 =	simm.s32 $0x1;
	s6 =	sor.u32 s5, s6  }
0x6: {  	[smem:$0x7FF] =	sst s3;
	p0 =	seq.s32 s5, $0x1;
	p1 =	seq.s32 s6, $0x0  }
0x7: {  	s10 =	simm.s32 $0x0;
	_ =	strace $0x80000047;
	p0 =	por !p1, !p0  }
0x8: {  	s7 =	ssub.s32 $0x2, s5;
	s6 =	sshll.u32 s6, $0x7;
	p0 =	por !p0, !p0  }
0x9: {  	s8 =	sshrl.u32 s7, $0x1;
	s6 =	sadd.s32 s6, s4;
	s9 =	simm.s32 @!p0 $0x0  }
0xa: {  	s7 =	ssub.s32 s7, s8;
	s4 =	sshll.u32 s5, $0xA;
	s31 =	ssub.s32 s1, s9  }
0xb: {  	s5 =	simm.s32 $0x1;
	s8 =	simm.s32 $0x400;
	s9 =	sshll.u32 s31, $0x4  }
0xc: {  	v0 =	vlaneseq.u32;
	v1 =	vimm.s32 $0x0;
	s6 =	sadd.s32 $0x1000, s6;
	s7 =	smax.u32 s7, $0x1;
	s9 =	sshra.s32 s9, $0x2  }
.LBB2_1:
0xd: {  	[tilespmem:s8], [sflag:$0x1] =	stream.linear.gather [hbm4b:s2+s3], $0x80, $0x38;
	[tilespmem:$0x480] =	vst v63  }
0xe: {  	_ =	swait.ge [sflag:s5], $0x80  }
0xf: {  	[sflag:s5] =	ssyncset.done $0x0  }
0x10: {  	[sflag:s5] =	ssyncadd.s32 $0xFFFFFF80  }
0x11: {  	v5 =	vld [tilespmem:s9+$0x400];
	_ =	sdelay $0x4  }
0x12: {  	v2 =	vbroadcast v5, $0x0;
	v3 =	vbroadcast v5, $0x1  }
0x13: {  	v6 =	vor.u32 s4, v0;
	v4 =	vbroadcast v5, $0x2;
	v5 =	vbroadcast v5, $0x3  }
0x14: {  	vm0 =	vge.s32 v6, v2  }
0x15: {  	vm1 =	vlt.s32 v6, v3;
	vm2 =	vge.s32 v6, v4;
	vm3 =	vlt.s32 v6, v5  }
0x16: {  	vm0 =	vmand vm0, vm1;
	vm15 =	vmand vm2, vm3  }
0x17: {  	vm0 =	vmor vm0, vm15  }
0x18: {  	s11 =	simm.s32 $0x40;
	s13 =	simm.s32 $0x0;
	s12 =	sadd.s32 $0x10, s4;
	v6 =	vsel vm0, $0x1, v1  }
.LBB2_2:
0x19: {  	v7 =	vor.u32 s12, v0;
	[tilespmem:s13+$0x0] =	vst v6;
	s13 =	smov.u32 s11;
	p0 =	sne.s32 s11, $0xFC0  }
.Ltmp0:
0x1a: {  	s11 =	sadd.s32 $0x40, s11;
	vm0 =	vge.s32 v7, v2;
	(pc) =	sbr.rel @p0 .LBB2_2-.Ltmp0, $4  }
0x1b: {  	vm1 =	vlt.s32 v7, v3;
	vm2 =	vge.s32 v7, v4;
	vm3 =	vlt.s32 v7, v5  }
0x1c: {  	vm0 =	vmand vm0, vm1;
	vm1 =	vmand vm2, vm3  }
0x1d: {  	vm0 =	vmor vm0, vm1  }
0x1e: {  	s12 =	sadd.s32 $0x10, s12;
	s13 =	sshra.s32 s13, $0x2;
	v6 =	vsel vm0, $0x1, v1  }
0x1f: {  	s10 =	sadd.s32 $0x1, s10  }
0x20: {  	p0 =	sne.s32 s10, s7  }
.Ltmp1:
0x21: {  	[tilespmem:s13+$0x0] =	vst v6;
	(pc) =	sbr.rel @p0 .LBB2_1-.Ltmp1, $4  }
0x22: {  	[hbm4b:s6+s3] =	stream.linear.scatter [tilespmem:s3], [sflag:$0x1], $0x400, $0x38;
	[tilespmem:$0x480] =	vst v63  }
0x23: {  	_ =	swait.ge [sflag:s5], $0x400  }
0x24: {  	[sflag:s5] =	ssyncset.done $0x0  }
0x25: {  	[sflag:s5] =	ssyncadd.s32 $0xFFFFFC00  }
0x26: {  	_ =	sfence.sel $0x180000  }
0x27: {  	[bflag:$0x0] =	sbarrier.arrive $0xFFFF  }
0x28: {  	p0 =	sne.s32 s1, $0x0;
	_ =	strace $0x90000047  }
0x29: {  	s0 =	sadd.s32 @!p0 $0x100000, s0;
	[bflag:$0x2] =	sbarrier.arrive $0xFFFF  }
0x2a: {  	[sflag:s0] =	ssyncadd.tile.s32 @!p0 $0x1;
	_ =	shalt  }
.Lfunc_end2:
_tile_overlayer_lowered:
.L_overlay_start_2:
0x2b: {  	(tag) =	ssettag $0x2  }
0x2c: {  	s0 =	rddreg [dreg:$0x0];
	s2 =	stileid.u32  }
0x2d: {  	s1 =	rddreg [dreg:$0x1];
	p0 =	sne.s32 s2, $0x0  }
0x2e: {  	s3 =	rddreg [dreg:$0x2];
	[bflag:$0x3] =	sbarrier.arrive $0xFFFF;
	s2 =	simm.s32 @!p0 $0x1C01  }
0x2f: {  	[timem:s3], [sflag:s2] =	dma.local @!p0 [hbm:s0], s1  }
0x30: {  	s0 =	simm.s32 @!p0 $0x1  }
0x31: {  	_ =	swait.ge @!p0 [sflag:s0], s1  }
0x32: {  	s1 =	ssub.s32 @!p0 $0x0, s1;
	[sflag:s0] =	ssyncset.done @!p0 $0x0  }
0x33: {  	[sflag:s0] =	ssyncadd.s32 @!p0 s1  }
0x34: {  	[bflag:$0x3] =	sbarrier.arrive $0xFFFF  }
0x35: {  	_ =	shalt  }

</sc_bundles>
